<compile_context>
chip_gen: v7x
topology: tpu7x:2x2x1
jax: 0.10.2.dev20260603
libtpu: 0.0.44.dev20260713+nightly
codegen_flags: <defaults>
</compile_context>

<pallas_src>
import functools

import jax
import jax.numpy as jnp
from jax import lax
from jax.experimental import pallas as pl
from jax.experimental.pallas import tpu as pltpu
from jax.experimental.pallas import tpu_sc as plsc

_NUM_CORES = 2
_NUM_SUBCORES = 16
_NW = _NUM_CORES * _NUM_SUBCORES
_LANES = 16
_CHUNK = 8192


def _sc_scatter_cols(t_cm, idx_cm, src_cm, m, d, b):
    cols_per_w = d // _NW
    n_chunks = b // _CHUNK
    mesh = plsc.VectorSubcoreMesh(core_axis_name="c", subcore_axis_name="s")

    @functools.partial(
        pl.kernel,
        mesh=mesh,
        out_type=jax.ShapeDtypeStruct((d, m), jnp.float32),
        scratch_types=[
            pltpu.VMEM((m,), jnp.float32),
            pltpu.VMEM((b,), jnp.int32),
            pltpu.VMEM((_CHUNK,), jnp.float32),
        ],
        compiler_params=pltpu.CompilerParams(needs_layout_passes=False),
    )
    def k(t_hbm, idx_hbm, src_hbm, out_hbm, acc_v, idx_v, src_v):
        wid = lax.axis_index("s") * _NUM_CORES + lax.axis_index("c")

        def per_col(ci, carry):
            j = wid * cols_per_w + ci
            pltpu.sync_copy(t_hbm.at[j], acc_v)
            pltpu.sync_copy(idx_hbm.at[j], idx_v)

            def per_chunk(ch, carry2):
                pltpu.sync_copy(
                    src_hbm.at[j, pl.ds(ch * _CHUNK, _CHUNK)], src_v
                )

                def upd(u, carry3):
                    iv = idx_v[pl.ds(ch * _CHUNK + u * _LANES, _LANES)]
                    sv = src_v[pl.ds(u * _LANES, _LANES)]
                    plsc.addupdate_scatter(acc_v, [iv], sv)
                    return carry3

                return lax.fori_loop(0, _CHUNK // _LANES, upd, carry2, unroll=8)

            lax.fori_loop(0, n_chunks, per_chunk, 0)
            pltpu.sync_copy(acc_v, out_hbm.at[j])
            return carry

        lax.fori_loop(0, cols_per_w, per_col, 0)

    return k(t_cm, idx_cm, src_cm)


def _tc_transpose(x_cm, m, d):
    bm = 1024

    def body(x_ref, o_ref):
        o_ref[...] = x_ref[...].T

    return pl.pallas_call(
        body,
        grid=(pl.cdiv(m, bm),),
        in_specs=[pl.BlockSpec((d, bm), lambda i: (0, i))],
        out_specs=pl.BlockSpec((bm, d), lambda i: (i, 0)),
        out_shape=jax.ShapeDtypeStruct((m, d), jnp.float32),
    )(x_cm)


def kernel(t, dim, index, src):
    del dim
    m, d = t.shape
    b = src.shape[0]
    t_cm = t.T
    idx_cm = index.astype(jnp.int32).T
    src_cm = src.T
    out_cm = _sc_scatter_cols(t_cm, idx_cm, src_cm, m, d, b)
    return _tc_transpose(out_cm, m, d)

# --- scband reference (transcript-rebuilt; emitter-appended) ---
"""Pipeline reference for scband-single-op-11879879541196 (READ-ONLY COPY).

The authoritative reference and input builder live on the scoring server;
editing this copy changes nothing except your own understanding.
"""

import jax, jax.numpy as jnp
import numpy as np

M = 100000
D = 128
B = 16384

def setup_inputs(seed: int = 0) -> dict:
    key = jax.random.key(seed)
    k1, k2, k3 = jax.random.split(key, 3)
    t = jax.random.normal(k1, (M, D), dtype=jnp.float32)
    src = jax.random.normal(k2, (B, D), dtype=jnp.float32)
    index = jax.random.randint(k3, (B, D), 0, M, dtype=jnp.int64)
    return {"t": t, "dim": 0, "index": index, "src": src}

def reference(t, dim, index, src):
    # torch.ops.aten.scatter_add(t, dim=0, index, src):
    #   out[index[i, j], j] += src[i, j]
    # dim is 0 here (closed over structurally); faithful jax scatter-add.
    cols = jnp.broadcast_to(jnp.arange(src.shape[1]), index.shape)
    out = t.at[index, cols].add(src)
    return out

if __name__ == "__main__":
    import jax
    _d = setup_inputs()
    print(jax.jit(kernel)(*tuple(_d.values())))

</pallas_src>

<mosaic_0001>
#map = affine_map<(d0, d1) -> (0, 0)>
module attributes {stable_mosaic.version = 14 : i64} {
  func.func @k(%arg0: i32, %arg1: i32, %arg2: memref<128x100000xf32, #tpu.memory_space<hbm>>, %arg3: memref<128x16384xi32, #tpu.memory_space<hbm>>, %arg4: memref<128x16384xf32, #tpu.memory_space<hbm>>, %arg5: memref<128x100000xf32, #tpu.memory_space<hbm>>, %arg6: memref<100000xf32, #tpu.memory_space<vmem>>, %arg7: memref<16384xi32, #tpu.memory_space<vmem>>, %arg8: memref<8192xf32, #tpu.memory_space<vmem>>) attributes {dimension_semantics = [#tpu.dimension_semantics<core_parallel>, #tpu.dimension_semantics<subcore_parallel>], iteration_bounds = array<i64: 2, 16>, scalar_prefetch = 0 : i64, scratch_operands = 3 : i64, tpu.core_type = #tpu.core_type<sc_vector_subcore>, window_params = [{transform_indices = #map}, {transform_indices = #map}, {transform_indices = #map}, {transform_indices = #map}]} {
    %mul3A = arith.constant 2 : i32
    %mul3A_0 = arith.muli %arg1, %mul3A : i32
    %add3A = arith.addi %mul3A_0, %arg0 : i32
    %scan3A = arith.constant 0 : i32
    %scan3A_1 = arith.constant 0 : i32
    %scan3A_2 = arith.constant 4 : i32
    %scan3A_3 = arith.addi %scan3A_1, %scan3A_2 : i32
    %scan3A_4 = arith.constant 1 : i32
    scf.for %scan3A_6 = %scan3A_1 to %scan3A_3 step %scan3A_4  : i32 {
      %mul3A_7 = arith.constant 4 : i32
      %mul3A_8 = arith.muli %add3A, %mul3A_7 : i32
      %add3A_9 = arith.addi %mul3A_8, %scan3A_6 : i32
      "tpu.region"() ({
        %run_scoped3A = tpu.sem_alloc : memref<!tpu.dma_semaphore, #tpu.memory_space<semaphore_mem>>
        %dma_start3A = arith.constant 0 : i32
        %dma_start3A_16 = tpu.memref_slice %arg2[%add3A_9, %dma_start3A] : memref<128x100000xf32, #tpu.memory_space<hbm>> -> memref<1x100000xf32, #tpu.memory_space<hbm>>
        %dma_start3A_17 = tpu.memref_squeeze %dma_start3A_16 : memref<1x100000xf32, #tpu.memory_space<hbm>> -> memref<100000xf32, #tpu.memory_space<hbm>>
        %dma_start3A_18 = arith.constant 0 : i32
        %dma_start3A_19 = tpu.memref_slice %arg2[%add3A_9, %dma_start3A_18] : memref<128x100000xf32, #tpu.memory_space<hbm>> -> memref<1x100000xf32, #tpu.memory_space<hbm>>
        %dma_start3A_20 = tpu.memref_squeeze %dma_start3A_19 : memref<1x100000xf32, #tpu.memory_space<hbm>> -> memref<100000xf32, #tpu.memory_space<hbm>>
        tpu.enqueue_dma source(%dma_start3A_20 : memref<100000xf32, #tpu.memory_space<hbm>>) target(%arg6 : memref<100000xf32, #tpu.memory_space<vmem>>) target_semaphore(%run_scoped3A : memref<!tpu.dma_semaphore, #tpu.memory_space<semaphore_mem>>)
        %dma_wait3A = arith.constant 0 : i32
        %dma_wait3A_21 = tpu.memref_slice %arg2[%add3A_9, %dma_wait3A] : memref<128x100000xf32, #tpu.memory_space<hbm>> -> memref<1x100000xf32, #tpu.memory_space<hbm>>
        %dma_wait3A_22 = tpu.memref_squeeze %dma_wait3A_21 : memref<1x100000xf32, #tpu.memory_space<hbm>> -> memref<100000xf32, #tpu.memory_space<hbm>>
        %dma_wait3A_23 = arith.constant 0 : i32
        %dma_wait3A_24 = tpu.memref_slice %arg2[%add3A_9, %dma_wait3A_23] : memref<128x100000xf32, #tpu.memory_space<hbm>> -> memref<1x100000xf32, #tpu.memory_space<hbm>>
        %dma_wait3A_25 = tpu.memref_squeeze %dma_wait3A_24 : memref<1x100000xf32, #tpu.memory_space<hbm>> -> memref<100000xf32, #tpu.memory_space<hbm>>
        tpu.wait_dma2 semaphore(%run_scoped3A : memref<!tpu.dma_semaphore, #tpu.memory_space<semaphore_mem>>) src(%dma_wait3A_25 : memref<100000xf32, #tpu.memory_space<hbm>>) dst(%arg6 : memref<100000xf32, #tpu.memory_space<vmem>>)
        tpu.yield
      }) : () -> ()
      "tpu.region"() ({
        %run_scoped3A = tpu.sem_alloc : memref<!tpu.dma_semaphore, #tpu.memory_space<semaphore_mem>>
        %dma_start3A = arith.constant 0 : i32
        %dma_start3A_16 = tpu.memref_slice %arg3[%add3A_9, %dma_start3A] : memref<128x16384xi32, #tpu.memory_space<hbm>> -> memref<1x16384xi32, #tpu.memory_space<hbm>>
        %dma_start3A_17 = tpu.memref_squeeze %dma_start3A_16 : memref<1x16384xi32, #tpu.memory_space<hbm>> -> memref<16384xi32, #tpu.memory_space<hbm>>
        %dma_start3A_18 = arith.constant 0 : i32
        %dma_start3A_19 = tpu.memref_slice %arg3[%add3A_9, %dma_start3A_18] : memref<128x16384xi32, #tpu.memory_space<hbm>> -> memref<1x16384xi32, #tpu.memory_space<hbm>>
        %dma_start3A_20 = tpu.memref_squeeze %dma_start3A_19 : memref<1x16384xi32, #tpu.memory_space<hbm>> -> memref<16384xi32, #tpu.memory_space<hbm>>
        tpu.enqueue_dma source(%dma_start3A_20 : memref<16384xi32, #tpu.memory_space<hbm>>) target(%arg7 : memref<16384xi32, #tpu.memory_space<vmem>>) target_semaphore(%run_scoped3A : memref<!tpu.dma_semaphore, #tpu.memory_space<semaphore_mem>>)
        %dma_wait3A = arith.constant 0 : i32
        %dma_wait3A_21 = tpu.memref_slice %arg3[%add3A_9, %dma_wait3A] : memref<128x16384xi32, #tpu.memory_space<hbm>> -> memref<1x16384xi32, #tpu.memory_space<hbm>>
        %dma_wait3A_22 = tpu.memref_squeeze %dma_wait3A_21 : memref<1x16384xi32, #tpu.memory_space<hbm>> -> memref<16384xi32, #tpu.memory_space<hbm>>
        %dma_wait3A_23 = arith.constant 0 : i32
        %dma_wait3A_24 = tpu.memref_slice %arg3[%add3A_9, %dma_wait3A_23] : memref<128x16384xi32, #tpu.memory_space<hbm>> -> memref<1x16384xi32, #tpu.memory_space<hbm>>
        %dma_wait3A_25 = tpu.memref_squeeze %dma_wait3A_24 : memref<1x16384xi32, #tpu.memory_space<hbm>> -> memref<16384xi32, #tpu.memory_space<hbm>>
        tpu.wait_dma2 semaphore(%run_scoped3A : memref<!tpu.dma_semaphore, #tpu.memory_space<semaphore_mem>>) src(%dma_wait3A_25 : memref<16384xi32, #tpu.memory_space<hbm>>) dst(%arg7 : memref<16384xi32, #tpu.memory_space<vmem>>)
        tpu.yield
      }) : () -> ()
      %scan3A_10 = arith.constant 0 : i32
      %scan3A_11 = arith.constant 0 : i32
      %scan3A_12 = arith.constant 2 : i32
      %scan3A_13 = arith.addi %scan3A_11, %scan3A_12 : i32
      %scan3A_14 = arith.constant 1 : i32
      scf.for %scan3A_16 = %scan3A_11 to %scan3A_13 step %scan3A_14  : i32 {
        %mul3A_17 = arith.constant 8192 : i32
        %mul3A_18 = arith.muli %scan3A_16, %mul3A_17 : i32
        "tpu.region"() ({
          %run_scoped3A = tpu.sem_alloc : memref<!tpu.dma_semaphore, #tpu.memory_space<semaphore_mem>>
          %dma_start3A = tpu.memref_slice %arg4[%add3A_9, %mul3A_18] : memref<128x16384xf32, #tpu.memory_space<hbm>> -> memref<1x8192xf32, #tpu.memory_space<hbm>>
          %dma_start3A_24 = tpu.memref_squeeze %dma_start3A : memref<1x8192xf32, #tpu.memory_space<hbm>> -> memref<8192xf32, #tpu.memory_space<hbm>>
          %dma_start3A_25 = tpu.memref_slice %arg4[%add3A_9, %mul3A_18] : memref<128x16384xf32, #tpu.memory_space<hbm>> -> memref<1x8192xf32, #tpu.memory_space<hbm>>
          %dma_start3A_26 = tpu.memref_squeeze %dma_start3A_25 : memref<1x8192xf32, #tpu.memory_space<hbm>> -> memref<8192xf32, #tpu.memory_space<hbm>>
          tpu.enqueue_dma source(%dma_start3A_26 : memref<8192xf32, #tpu.memory_space<hbm>>) target(%arg8 : memref<8192xf32, #tpu.memory_space<vmem>>) target_semaphore(%run_scoped3A : memref<!tpu.dma_semaphore, #tpu.memory_space<semaphore_mem>>)
          %dma_wait3A = tpu.memref_slice %arg4[%add3A_9, %mul3A_18] : memref<128x16384xf32, #tpu.memory_space<hbm>> -> memref<1x8192xf32, #tpu.memory_space<hbm>>
          %dma_wait3A_27 = tpu.memref_squeeze %dma_wait3A : memref<1x8192xf32, #tpu.memory_space<hbm>> -> memref<8192xf32, #tpu.memory_space<hbm>>
          %dma_wait3A_28 = tpu.memref_slice %arg4[%add3A_9, %mul3A_18] : memref<128x16384xf32, #tpu.memory_space<hbm>> -> memref<1x8192xf32, #tpu.memory_space<hbm>>
          %dma_wait3A_29 = tpu.memref_squeeze %dma_wait3A_28 : memref<1x8192xf32, #tpu.memory_space<hbm>> -> memref<8192xf32, #tpu.memory_space<hbm>>
          tpu.wait_dma2 semaphore(%run_scoped3A : memref<!tpu.dma_semaphore, #tpu.memory_space<semaphore_mem>>) src(%dma_wait3A_29 : memref<8192xf32, #tpu.memory_space<hbm>>) dst(%arg8 : memref<8192xf32, #tpu.memory_space<vmem>>)
          tpu.yield
        }) : () -> ()
        %scan3A_19 = arith.constant 0 : i32
        %scan3A_20 = arith.constant 512 : i32
        %scan3A_21 = arith.addi %scan3A_19, %scan3A_20 : i32
        %scan3A_22 = arith.constant 8 : i32
        scf.for %scan3A_24 = %scan3A_19 to %scan3A_21 step %scan3A_22  : i32 {
          %mul3A_25 = arith.constant 8192 : i32
          %mul3A_26 = arith.muli %scan3A_16, %mul3A_25 : i32
          %mul3A_27 = arith.constant 16 : i32
          %mul3A_28 = arith.muli %scan3A_24, %mul3A_27 : i32
          %add3A_29 = arith.addi %mul3A_26, %mul3A_28 : i32
          %get3A = arith.index_cast %add3A_29 : i32 to index
          %get3A_30 = tpu.vector_load %arg7[%get3A] {strides = array<i32>} : memref<16384xi32, #tpu.memory_space<vmem>>, vector<16xi32>,
          %mul3A_31 = arith.constant 16 : i32
          %mul3A_32 = arith.muli %scan3A_24, %mul3A_31 : i32
          %get3A_33 = arith.index_cast %mul3A_32 : i32 to index
          %get3A_34 = tpu.vector_load %arg8[%get3A_33] {strides = array<i32>} : memref<8192xf32, #tpu.memory_space<vmem>>, vector<16xf32>,
          tpu.vector_store_idx %arg6[%get3A_30], %get3A_34 {add = true} : memref<100000xf32, #tpu.memory_space<vmem>>[vector<16xi32>], vector<16xf32>,
          %scan3A_35 = arith.constant 1 : i32
          %scan3A_36 = arith.addi %scan3A_24, %scan3A_35 : i32
          %mul3A_37 = arith.constant 8192 : i32
          %mul3A_38 = arith.muli %scan3A_16, %mul3A_37 : i32
          %mul3A_39 = arith.constant 16 : i32
          %mul3A_40 = arith.muli %scan3A_36, %mul3A_39 : i32
          %add3A_41 = arith.addi %mul3A_38, %mul3A_40 : i32
          %get3A_42 = arith.index_cast %add3A_41 : i32 to index
          %get3A_43 = tpu.vector_load %arg7[%get3A_42] {strides = array<i32>} : memref<16384xi32, #tpu.memory_space<vmem>>, vector<16xi32>,
          %mul3A_44 = arith.constant 16 : i32
          %mul3A_45 = arith.muli %scan3A_36, %mul3A_44 : i32
          %get3A_46 = arith.index_cast %mul3A_45 : i32 to index
          %get3A_47 = tpu.vector_load %arg8[%get3A_46] {strides = array<i32>} : memref<8192xf32, #tpu.memory_space<vmem>>, vector<16xf32>,
          tpu.vector_store_idx %arg6[%get3A_43], %get3A_47 {add = true} : memref<100000xf32, #tpu.memory_space<vmem>>[vector<16xi32>], vector<16xf32>,
          %scan3A_48 = arith.constant 2 : i32
          %scan3A_49 = arith.addi %scan3A_24, %scan3A_48 : i32
          %mul3A_50 = arith.constant 8192 : i32
          %mul3A_51 = arith.muli %scan3A_16, %mul3A_50 : i32
          %mul3A_52 = arith.constant 16 : i32
          %mul3A_53 = arith.muli %scan3A_49, %mul3A_52 : i32
          %add3A_54 = arith.addi %mul3A_51, %mul3A_53 : i32
          %get3A_55 = arith.index_cast %add3A_54 : i32 to index
          %get3A_56 = tpu.vector_load %arg7[%get3A_55] {strides = array<i32>} : memref<16384xi32, #tpu.memory_space<vmem>>, vector<16xi32>,
          %mul3A_57 = arith.constant 16 : i32
          %mul3A_58 = arith.muli %scan3A_49, %mul3A_57 : i32
          %get3A_59 = arith.index_cast %mul3A_58 : i32 to index
          %get3A_60 = tpu.vector_load %arg8[%get3A_59] {strides = array<i32>} : memref<8192xf32, #tpu.memory_space<vmem>>, vector<16xf32>,
          tpu.vector_store_idx %arg6[%get3A_56], %get3A_60 {add = true} : memref<100000xf32, #tpu.memory_space<vmem>>[vector<16xi32>], vector<16xf32>,
          %scan3A_61 = arith.constant 3 : i32
          %scan3A_62 = arith.addi %scan3A_24, %scan3A_61 : i32
          %mul3A_63 = arith.constant 8192 : i32
          %mul3A_64 = arith.muli %scan3A_16, %mul3A_63 : i32
          %mul3A_65 = arith.constant 16 : i32
          %mul3A_66 = arith.muli %scan3A_62, %mul3A_65 : i32
          %add3A_67 = arith.addi %mul3A_64, %mul3A_66 : i32
          %get3A_68 = arith.index_cast %add3A_67 : i32 to index
          %get3A_69 = tpu.vector_load %arg7[%get3A_68] {strides = array<i32>} : memref<16384xi32, #tpu.memory_space<vmem>>, vector<16xi32>,
          %mul3A_70 = arith.constant 16 : i32
          %mul3A_71 = arith.muli %scan3A_62, %mul3A_70 : i32
          %get3A_72 = arith.index_cast %mul3A_71 : i32 to index
          %get3A_73 = tpu.vector_load %arg8[%get3A_72] {strides = array<i32>} : memref<8192xf32, #tpu.memory_space<vmem>>, vector<16xf32>,
          tpu.vector_store_idx %arg6[%get3A_69], %get3A_73 {add = true} : memref<100000xf32, #tpu.memory_space<vmem>>[vector<16xi32>], vector<16xf32>,
          %scan3A_74 = arith.constant 4 : i32
          %scan3A_75 = arith.addi %scan3A_24, %scan3A_74 : i32
          %mul3A_76 = arith.constant 8192 : i32
          %mul3A_77 = arith.muli %scan3A_16, %mul3A_76 : i32
          %mul3A_78 = arith.constant 16 : i32
          %mul3A_79 = arith.muli %scan3A_75, %mul3A_78 : i32
          %add3A_80 = arith.addi %mul3A_77, %mul3A_79 : i32
          %get3A_81 = arith.index_cast %add3A_80 : i32 to index
          %get3A_82 = tpu.vector_load %arg7[%get3A_81] {strides = array<i32>} : memref<16384xi32, #tpu.memory_space<vmem>>, vector<16xi32>,
          %mul3A_83 = arith.constant 16 : i32
          %mul3A_84 = arith.muli %scan3A_75, %mul3A_83 : i32
          %get3A_85 = arith.index_cast %mul3A_84 : i32 to index
          %get3A_86 = tpu.vector_load %arg8[%get3A_85] {strides = array<i32>} : memref<8192xf32, #tpu.memory_space<vmem>>, vector<16xf32>,
          tpu.vector_store_idx %arg6[%get3A_82], %get3A_86 {add = true} : memref<100000xf32, #tpu.memory_space<vmem>>[vector<16xi32>], vector<16xf32>,
          %scan3A_87 = arith.constant 5 : i32
          %scan3A_88 = arith.addi %scan3A_24, %scan3A_87 : i32
          %mul3A_89 = arith.constant 8192 : i32
          %mul3A_90 = arith.muli %scan3A_16, %mul3A_89 : i32
          %mul3A_91 = arith.constant 16 : i32
          %mul3A_92 = arith.muli %scan3A_88, %mul3A_91 : i32
          %add3A_93 = arith.addi %mul3A_90, %mul3A_92 : i32
          %get3A_94 = arith.index_cast %add3A_93 : i32 to index
          %get3A_95 = tpu.vector_load %arg7[%get3A_94] {strides = array<i32>} : memref<16384xi32, #tpu.memory_space<vmem>>, vector<16xi32>,
          %mul3A_96 = arith.constant 16 : i32
          %mul3A_97 = arith.muli %scan3A_88, %mul3A_96 : i32
          %get3A_98 = arith.index_cast %mul3A_97 : i32 to index
          %get3A_99 = tpu.vector_load %arg8[%get3A_98] {strides = array<i32>} : memref<8192xf32, #tpu.memory_space<vmem>>, vector<16xf32>,
          tpu.vector_store_idx %arg6[%get3A_95], %get3A_99 {add = true} : memref<100000xf32, #tpu.memory_space<vmem>>[vector<16xi32>], vector<16xf32>,
          %scan3A_100 = arith.constant 6 : i32
          %scan3A_101 = arith.addi %scan3A_24, %scan3A_100 : i32
          %mul3A_102 = arith.constant 8192 : i32
          %mul3A_103 = arith.muli %scan3A_16, %mul3A_102 : i32
          %mul3A_104 = arith.constant 16 : i32
          %mul3A_105 = arith.muli %scan3A_101, %mul3A_104 : i32
          %add3A_106 = arith.addi %mul3A_103, %mul3A_105 : i32
          %get3A_107 = arith.index_cast %add3A_106 : i32 to index
          %get3A_108 = tpu.vector_load %arg7[%get3A_107] {strides = array<i32>} : memref<16384xi32, #tpu.memory_space<vmem>>, vector<16xi32>,
          %mul3A_109 = arith.constant 16 : i32
          %mul3A_110 = arith.muli %scan3A_101, %mul3A_109 : i32
          %get3A_111 = arith.index_cast %mul3A_110 : i32 to index
          %get3A_112 = tpu.vector_load %arg8[%get3A_111] {strides = array<i32>} : memref<8192xf32, #tpu.memory_space<vmem>>, vector<16xf32>,
          tpu.vector_store_idx %arg6[%get3A_108], %get3A_112 {add = true} : memref<100000xf32, #tpu.memory_space<vmem>>[vector<16xi32>], vector<16xf32>,
          %scan3A_113 = arith.constant 7 : i32
          %scan3A_114 = arith.addi %scan3A_24, %scan3A_113 : i32
          %mul3A_115 = arith.constant 8192 : i32
          %mul3A_116 = arith.muli %scan3A_16, %mul3A_115 : i32
          %mul3A_117 = arith.constant 16 : i32
          %mul3A_118 = arith.muli %scan3A_114, %mul3A_117 : i32
          %add3A_119 = arith.addi %mul3A_116, %mul3A_118 : i32
          %get3A_120 = arith.index_cast %add3A_119 : i32 to index
          %get3A_121 = tpu.vector_load %arg7[%get3A_120] {strides = array<i32>} : memref<16384xi32, #tpu.memory_space<vmem>>, vector<16xi32>,
          %mul3A_122 = arith.constant 16 : i32
          %mul3A_123 = arith.muli %scan3A_114, %mul3A_122 : i32
          %get3A_124 = arith.index_cast %mul3A_123 : i32 to index
          %get3A_125 = tpu.vector_load %arg8[%get3A_124] {strides = array<i32>} : memref<8192xf32, #tpu.memory_space<vmem>>, vector<16xf32>,
          tpu.vector_store_idx %arg6[%get3A_121], %get3A_125 {add = true} : memref<100000xf32, #tpu.memory_space<vmem>>[vector<16xi32>], vector<16xf32>,
        }
        %scan3A_23 = arith.constant 512 : i32
      }
      %scan3A_15 = arith.constant 2 : i32
      "tpu.region"() ({
        %run_scoped3A = tpu.sem_alloc : memref<!tpu.dma_semaphore, #tpu.memory_space<semaphore_mem>>
        %dma_start3A = arith.constant 0 : i32
        %dma_start3A_16 = tpu.memref_slice %arg5[%add3A_9, %dma_start3A] : memref<128x100000xf32, #tpu.memory_space<hbm>> -> memref<1x100000xf32, #tpu.memory_space<hbm>>
        %dma_start3A_17 = tpu.memref_squeeze %dma_start3A_16 : memref<1x100000xf32, #tpu.memory_space<hbm>> -> memref<100000xf32, #tpu.memory_space<hbm>>
        %dma_start3A_18 = arith.constant 0 : i32
        %dma_start3A_19 = tpu.memref_slice %arg5[%add3A_9, %dma_start3A_18] : memref<128x100000xf32, #tpu.memory_space<hbm>> -> memref<1x100000xf32, #tpu.memory_space<hbm>>
        %dma_start3A_20 = tpu.memref_squeeze %dma_start3A_19 : memref<1x100000xf32, #tpu.memory_space<hbm>> -> memref<100000xf32, #tpu.memory_space<hbm>>
        tpu.enqueue_dma source(%arg6 : memref<100000xf32, #tpu.memory_space<vmem>>) target(%dma_start3A_20 : memref<100000xf32, #tpu.memory_space<hbm>>) target_semaphore(%run_scoped3A : memref<!tpu.dma_semaphore, #tpu.memory_space<semaphore_mem>>)
        %dma_wait3A = arith.constant 0 : i32
        %dma_wait3A_21 = tpu.memref_slice %arg5[%add3A_9, %dma_wait3A] : memref<128x100000xf32, #tpu.memory_space<hbm>> -> memref<1x100000xf32, #tpu.memory_space<hbm>>
        %dma_wait3A_22 = tpu.memref_squeeze %dma_wait3A_21 : memref<1x100000xf32, #tpu.memory_space<hbm>> -> memref<100000xf32, #tpu.memory_space<hbm>>
        %dma_wait3A_23 = arith.constant 0 : i32
        %dma_wait3A_24 = tpu.memref_slice %arg5[%add3A_9, %dma_wait3A_23] : memref<128x100000xf32, #tpu.memory_space<hbm>> -> memref<1x100000xf32, #tpu.memory_space<hbm>>
        %dma_wait3A_25 = tpu.memref_squeeze %dma_wait3A_24 : memref<1x100000xf32, #tpu.memory_space<hbm>> -> memref<100000xf32, #tpu.memory_space<hbm>>
        tpu.wait_dma2 semaphore(%run_scoped3A : memref<!tpu.dma_semaphore, #tpu.memory_space<semaphore_mem>>) src(%arg6 : memref<100000xf32, #tpu.memory_space<vmem>>) dst(%dma_wait3A_25 : memref<100000xf32, #tpu.memory_space<hbm>>)
        tpu.yield
      }) : () -> ()
    }
    %scan3A_5 = arith.constant 4 : i32
    return
  }
}

module attributes {stable_mosaic.version = 14 : i64} {
  func.func @body(%arg0: i32, %arg1: memref<128x1024xf32, #tpu.memory_space<vmem>>, %arg2: memref<1024x128xf32, #tpu.memory_space<vmem>>) attributes {dimension_semantics = [#tpu.dimension_semantics<arbitrary>], iteration_bounds = array<i64: 98>, scalar_prefetch = 0 : i64, scratch_operands = 0 : i64, tpu.core_type = #tpu.core_type<tc>, window_params = [{transform_indices = @transform_0, window_bounds = array<i64: 128, 1024>}, {transform_indices = @transform_1, window_bounds = array<i64: 1024, 128>}]} {
    %get3A = arith.constant 0 : index
    %get3A_0 = arith.constant 0 : index
    %get3A_1 = vector.load %arg1[%get3A, %get3A_0] : memref<128x1024xf32, #tpu.memory_space<vmem>>, vector<128x1024xf32>
    %transpose3A = tpu.transpose %get3A_1, [1, 0] : vector<128x1024xf32> -> vector<1024x128xf32>
    %swap3A = arith.constant 0 : index
    %swap3A_2 = arith.constant 0 : index
    %swap3A_3 = vector.load %arg2[%swap3A, %swap3A_2] : memref<1024x128xf32, #tpu.memory_space<vmem>>, vector<1024x128xf32>
    tpu.vector_store %arg2[%swap3A, %swap3A_2], %transpose3A {strides = array<i32>} : memref<1024x128xf32, #tpu.memory_space<vmem>>, vector<1024x128xf32>,
    return
  }
  func.func @transform_0(%arg0: i32) -> (i32, i32) {
    %c0_i32 = arith.constant 0 : i32
    %c0_i32_0 = arith.constant 0 : i32
    return %c0_i32, %arg0 : i32, i32
  }
  func.func @transform_1(%arg0: i32) -> (i32, i32) {
    %c0_i32 = arith.constant 0 : i32
    %c0_i32_0 = arith.constant 0 : i32
    return %arg0, %c0_i32 : i32, i32
  }
}

</mosaic_0001>

<sc_bundles>
// kernel: kernel.4.cloned.1.call-start
scs
__scs_entry_jumppad:
0x0: {  	(pc) =	sbr.rel $0x88, $3  }
0x1: {  	(tag) =	ssettag $0x0;
	lr =	simm.s32 $0x1  }
0x2: {  	[smem:$0x3F9E] =	sst lr;
	_ =	strace $0xD0000000  }
0x3: {  	_ = 	snop  }
0x4: {  	_ = 	snop  }
0x5: {  	_ = 	snop  }
0x6: {  	_ = 	snop  }
0x7: {  	_ = 	snop  }
__scs_overlays_trampoline_lowered:
0x8: {  	[smem:$0x3FAD] =	sst s0  }
0x9: {  	[smem:$0x3FAE] =	sst s1  }
0xa: {  	[smem:$0x3FAF] =	sst s2  }
0xb: {  	[smem:$0x3FB0] =	sst s3  }
0xc: {  	[smem:$0x3FB1] =	sst s4  }
0xd: {  	[smem:$0x3FB2] =	sst s5  }
0xe: {  	[smem:$0x3FB3] =	sst s6  }
0xf: {  	[smem:$0x3FB4] =	sst s7  }
0x10: {  	[smem:$0x3FB5] =	sst s8  }
0x11: {  	[smem:$0x3FB6] =	sst s9;
	s0 =	simm.s32 @!p0 $0x0  }
0x12: {  	s1 =	sld [smem:$0x3F9C];
	s0 =	simm.s32 @p0 $0x1  }
0x13: {  	[smem:$0x3FB7] =	sst s0;
	s0 =	simm.s32 @!p1 $0x0  }
0x14: {  	s2 =	sld [smem:$0x3F9B];
	s0 =	simm.s32 @p1 $0x1  }
0x15: {  	[smem:$0x3FB8] =	sst s0;
	s0 =	simm.s32 @!p2 $0x0  }
0x16: {  	s3 =	sld [smem:$0x3FDB];
	s0 =	simm.s32 @p2 $0x1  }
0x17: {  	s4 =	simm.s32 $0x1BF5;
	[smem:$0x3FBA] =	sst s0  }
0x18: {  	s0 =	sld [smem:$0x3F9D];
	_ =	swait.ge [sflag:s4], $0x0  }
0x19: {  	s7 =	sld [smem:$0x3F9E]  }
0x1a: {  	s8 =	sadd.s32 $0xFFFFE003, lr  }
0x1b: {  	s9 =	sadd.s32 $0xFFFFFEF7, lr;
	s5 =	simm.s32 $0xFFFFFFFF;
	p2 =	slt.u32 s8, $0xFFFFF086  }
0x1c: {  	p1 =	slt.u32 s9, $0xF7A;
	s5 =	simm.s32 @!p2 $0x0  }
0x1d: {  	s5 =	simm.s32 @p1 $0x1;
	p0 =	seq.s32 s7, s2  }
0x1e: {  	s7 =	smul.u32 @!p0 $0xF7A, s2;
	p2 =	seq.s32 @!p0 s5, $0x0  }
0x1f: {  	s9 =	smul.u32 $0xF7A, s1;
	s8 =	simm.s32 @!p0 $0x1BF5;
	p2 =	por !p2, p0  }
0x20: {  	[sflag:s8] =	ssyncset.s32 @!p0 $0xFFFFF086;
	s6 =	sadd.s32 @!p0 s3, s7;
	s7 =	simm.s32 @!p0 $0x108  }
0x21: {  	s3 =	sadd.s32 s3, s9;
	s6 =	sadd.s32 @!p0 $0x88, s6;
	s7 =	simm.s32 @p2 $0x1082  }
0x22: {  	[simem:s7], [sflag:s8] =	dma.local @!p0 [hbm:s6], $0xF7A  }
0x23: {  	s9 =	sor.u32 $0xD0000000, s2;
	s6 =	simm.s32 $0x108;
	_ =	swait.ge @!p0 [sflag:s8], $0x0  }
0x24: {  	s3 =	sadd.s32 $0x88, s3;
	s6 =	simm.s32 @!p1 $0x1082;
	[sflag:s4] =	ssyncset.s32 $0xFFFFF086  }
0x25: {  	[simem:s6], [sflag:s4] =	dma.local [hbm:s3], $0xF7A  }
0x26: {  	[smem:$0x3F9E] =	sst s1;
	(tag) =	ssettag s2;
	_ =	strace s9  }
0x27: {  	s1 =	sld [smem:$0x3FAE]  }
0x28: {  	s2 =	sld [smem:$0x3FAF]  }
0x29: {  	s4 =	sld [smem:$0x3FB1]  }
0x2a: {  	p0 =	seq.s32 s5, $0x0;
	s5 =	sld [smem:$0x3FB2]  }
0x2b: {  	s6 =	sld [smem:$0x3FB3]  }
0x2c: {  	s7 =	sld [smem:$0x3FB4]  }
0x2d: {  	s3 =	simm.s32 $0x108;
	s8 =	sld [smem:$0x3FB5]  }
0x2e: {  	s3 =	simm.s32 @!p0 $0x1082;
	s9 =	sld [smem:$0x3FB6]  }
0x2f: {  	lr =	sadd.s32 s0, s3;
	s0 =	sld [smem:$0x3FAD]  }
0x30: {  	s3 =	sld [smem:$0x3FB0]  }
0x31: {  	[smem:$0x3FB9] =	sst s10  }
0x32: {  	s10 =	sld [smem:$0x3FB7];
	_ =	sdelay $0x3  }
0x33: {  	p0 =	seq.s32 s10, $0x1;
	s10 =	sld [smem:$0x3FB9];
	_ =	sdelay $0x3  }
0x34: {  	[smem:$0x3FB9] =	sst s10  }
0x35: {  	s10 =	sld [smem:$0x3FB8];
	_ =	sdelay $0x3  }
0x36: {  	p1 =	seq.s32 s10, $0x1;
	s10 =	sld [smem:$0x3FB9];
	_ =	sdelay $0x3  }
0x37: {  	[smem:$0x3FB9] =	sst s10  }
0x38: {  	s10 =	sld [smem:$0x3FBA]  }
0x39: {  	_ = 	snop;
	(pc) =	sbr.ind lr, $3  }
0x3a: {  	_ = 	snop  }
0x3b: {  	_ = 	snop  }
0x3c: {  	p2 =	seq.s32 s10, $0x1;
	s10 =	sld [smem:$0x3FB9]  }
0x3d: {  	_ =	shalt  }
0x3e: {  	_ =	shalt  }
0x3f: {  	_ =	shalt  }
0x40: {  	_ =	shalt  }
0x41: {  	_ =	shalt  }
0x42: {  	_ =	shalt  }
0x43: {  	_ =	shalt  }
0x44: {  	_ =	shalt  }
0x45: {  	_ =	shalt  }
0x46: {  	_ =	shalt  }
0x47: {  	_ =	shalt  }
0x48: {  	_ =	shalt  }
0x49: {  	_ =	shalt  }
0x4a: {  	_ =	shalt  }
0x4b: {  	_ =	shalt  }
0x4c: {  	_ =	shalt  }
0x4d: {  	_ =	shalt  }
0x4e: {  	_ =	shalt  }
0x4f: {  	_ =	shalt  }
0x50: {  	_ =	shalt  }
0x51: {  	_ =	shalt  }
0x52: {  	_ =	shalt  }
0x53: {  	_ =	shalt  }
0x54: {  	_ =	shalt  }
0x55: {  	_ =	shalt  }
0x56: {  	_ =	shalt  }
0x57: {  	_ =	shalt  }
0x58: {  	_ =	shalt  }
0x59: {  	_ =	shalt  }
0x5a: {  	_ =	shalt  }
0x5b: {  	_ =	shalt  }
0x5c: {  	_ =	shalt  }
0x5d: {  	_ =	shalt  }
0x5e: {  	_ =	shalt  }
0x5f: {  	_ =	shalt  }
0x60: {  	_ =	shalt  }
0x61: {  	_ =	shalt  }
0x62: {  	_ =	shalt  }
0x63: {  	_ =	shalt  }
0x64: {  	_ =	shalt  }
0x65: {  	_ =	shalt  }
0x66: {  	_ =	shalt  }
0x67: {  	_ =	shalt  }
0x68: {  	_ =	shalt  }
0x69: {  	_ =	shalt  }
0x6a: {  	_ =	shalt  }
0x6b: {  	_ =	shalt  }
0x6c: {  	_ =	shalt  }
0x6d: {  	_ =	shalt  }
0x6e: {  	_ =	shalt  }
0x6f: {  	_ =	shalt  }
0x70: {  	_ =	shalt  }
0x71: {  	_ =	shalt  }
0x72: {  	_ =	shalt  }
0x73: {  	_ =	shalt  }
0x74: {  	_ =	shalt  }
0x75: {  	_ =	shalt  }
0x76: {  	_ =	shalt  }
0x77: {  	_ =	shalt  }
0x78: {  	_ =	shalt  }
0x79: {  	_ =	shalt  }
0x7a: {  	_ =	shalt  }
0x7b: {  	_ =	shalt  }
0x7c: {  	_ =	shalt  }
0x7d: {  	_ =	shalt  }
0x7e: {  	_ =	shalt  }
0x7f: {  	_ =	shalt  }
0x80: {  	_ =	shalt  }
0x81: {  	_ =	shalt  }
0x82: {  	_ =	shalt  }
0x83: {  	_ =	shalt  }
0x84: {  	_ =	shalt  }
0x85: {  	_ =	shalt  }
0x86: {  	_ =	shalt  }
0x87: {  	_ =	shalt  }
.Lfunc_end0:
.L_simem_size_0:
called_computation_lowered:
.L_overlay_start_0:
0x88: {  	s2 =	sld [smem:$0x3FD9]  }
0x89: {  	s3 =	sld [smem:$0x3FFE];
	_ =	sdelay $0x1  }
0x8a: {  	s1 =	srdreg.scid  }
0x8b: {  	s0 =	sand.u32 $0x1, s1  }
0x8c: {  	s17 =	sshll.u32 s0, $0xA;
	s2 =	sadd.s32 s3, s2  }
0x8d: {  	s2 =	sadd.s32 s2, s17  }
0x8e: {  	[smem:$0x3FC5] =	sst s2  }
0x8f: {  	_ = 	snop  }
0x90: {  	s2 =	sld [smem:$0x3FD0];
	(tm) =	ssettm $0x1  }
0x91: {  	s18 =	sld [smem:$0x3FFB];
	_ =	sdelay $0x3  }
0x92: {  	_ =	strace s18  }
0x93: {  	s3 =	sld [smem:$0x3FFC];
	_ =	sdelay $0x3  }
0x94: {  	_ =	strace s3  }
0x95: {  	s3 =	sld [smem:$0x3FFD];
	_ =	sdelay $0x3  }
0x96: {  	_ =	strace s3  }
0x97: {  	_ =	strace $0x8FFFFFFF  }
0x98: {  	s19 =	sld [smem:$0x3FDB];
	_ =	sdelay $0x1  }
0x99: {  	s4 =	simm.s32 $_scs_section_size  }
0x9a: {  	s5 =	simm.s32 $_size__tile_overlayer_lowered;
	s6 =	simm.s32 $_tile_overlayer_lowered  }
0x9b: {  	s22 =	simm.s32 $0x1BFF;
	s21 =	sshll.u32 s6, $0x1;
	s3 =	sadd.s32 s4, s19  }
0x9c: {  	s7 =	simm.s32 $0x0;
	s20 =	sshll.u32 s5, $0x1;
	s5 =	sadd.s32 s21, s3  }
0x9d: {  	[timem:s7], [sflag:s22] =	dma.local [hbm:s5], s20  }
0x9e: {  	_ =	swait.ge [sflag:s22], s20  }
0x9f: {  	s4 =	ssub.s32 $0x0, s20;
	[sflag:s22] =	ssyncset.done $0x0  }
0xa0: {  	[sflag:s22] =	ssyncadd.s32 s4;
	_ =	sdelay $0x1  }
0xa1: {  	s23 =	simm.s32 $0x1B8B  }
0xa2: {  	_ =	swait.ge [sflag:s23], $0x1  }
0xa3: {  	[sflag:s23] =	ssyncset.done $0x0  }
0xa4: {  	s25 =	simm.s32 $0x1B8E;
	s24 =	sld [smem:$0x3FFE];
	[sflag:s23] =	ssyncadd.s32 $0xFFFFFFFF  }
0xa5: {  	s26 =	simm.s32 $execute0_lowered;
	[smem:$0x3FD2] =	sst s25  }
0xa6: {  	s5 =	sshll.u32 s26, $0x1;
	_ =	strace $0x80000046;
	[dreg:$0x1] =	wrdreg $0xFFFFFFFF  }
0xa7: {  	s28 =	simm.s32 $_size_execute0_lowered;
	s3 =	sadd.s32 s3, s5;
	[dreg:$0x0] =	wrdreg $0x0  }
0xa8: {  	s5 =	sshll.u32 s28, $0x1;
	[dreg:$0x2] =	wrdreg s3  }
0xa9: {  	[dreg:$0x3] =	wrdreg s5  }
0xaa: {  	[dreg:$0x4] =	wrdreg $0xC0  }
0xab: {  	_ =	task [dreg:s7], $0x5FFFF  }
0xac: {  	[dreg:$0x1] =	wrdreg $0xFFFFFFFF  }
0xad: {  	[dreg:$0x0] =	wrdreg $0x60  }
0xae: {  	[dreg:$0x2] =	wrdreg s24  }
0xaf: {  	[dreg:$0x3] =	wrdreg s2  }
0xb0: {  	[dreg:$0x4] =	wrdreg $0x9  }
0xb1: {  	_ =	task.clear_ibuf [dreg:s7], $0x5FFFF;
	_ =	strace $0x90000046  }
0xb2: {  	s29 =	simm.s32 $0x9;
	_ =	strace $0x80000048  }
0xb3: {  	_ =	swait.ge [sflag:s29], $0x1  }
0xb4: {  	[sflag:s29] =	ssyncadd.s32 $0xFFFFFFFF  }
0xb5: {  	_ =	strace $0x90000048  }
0xb6: {  	_ =	sfence  }
0xb7: {  	s30 =	sld [smem:$0x0];
	_ =	sdelay $0x2  }
0xb8: {  	s31 =	sshll.u32 s1, $0xD;
	s1 =	sshrl.u32 s1, $0x2  }
0xb9: {  	s3 =	sand.u32 $0x4000, s31;
	s1 =	sadd.s32 s1, s30  }
0xba: {  	s0 =	sor.u32 s3, s0;
	s1 =	sshll.u32 s1, $0x11  }
0xbb: {  	s0 =	sor.u32 s1, s0  }
0xbc: {  	s0 =	sadd.s32 $0x8F2B, s0  }
0xbd: {  	[sflag:s0] =	ssyncadd.remote.s32 $0x1  }
0xbe: {  	_ =	sfence.sel $0xFFFF  }
0xbf: {  	[dreg:$0x0] =	wrdreg $0xFFFFFFFF;
	(pc) =	sbr.abs _section_cstart, $3  }
0xc0: {  	[dreg:$0x1] =	wrdreg $0xFFFFFFFF  }
0xc1: {  	_ =	task.clear_ibuf [dreg:s7], $0x2FFFF;
	_ =	strace $0x9FFFFFFF  }
0xc2: {  	(tm) =	ssettm $0x7FFFFFFF  }
0xc3: {  	_ =	shalt  }
tec
execute0_lowered:
.L_overlay_start_1:
0x0: {  	(tag) =	ssettag $0x1  }
0x1: {  	s4 =	rddreg [dreg:$0x0]  }
0x2: {  	s1 =	rddreg [dreg:$0x1]  }
0x3: {  	s0 =	rddreg [dreg:$0x2];
	s2 =	simm.s32 $0x0  }
0x4: {  	s3 =	srdreg.scid;
	s11 =	simm.s32 $0x80;
	s12 =	simm.s32 $0x400  }
0x5: {  	s13 =	simm.s32 $0x1;
	s14 =	simm.s32 $0x18700;
	s15 =	simm.s32 $0x1C700  }
0x6: {  	s16 =	simm.s32 $0x0;
	[smem:$0x7FF] =	sst s2;
	s7 =	sand.u32 $0x1, s3  }
0x7: {  	s3 =	sadd.s32 $0x40400, s4;
	s5 =	sadd.s32 $0x400, s4;
	s8 =	ssub.s32 $0x2, s7  }
0x8: {  	s6 =	sadd.s32 $0x1C7400, s4;
	s4 =	stileid.u32;
	s9 =	sshrl.u32 s8, $0x1  }
0x9: {  	_ =	strace $0x80000047;
	s7 =	sshll.u32 s7, $0x9;
	s10 =	ssub.s32 s8, s9  }
0xa: {  	s8 =	smul.u32 $0xC3800, s4;
	s9 =	sshll.u32 s4, $0x11;
	s10 =	smax.u32 s10, $0x1  }
.LBB2_1:
0xb: {  	s17 =	simm.s32 $0x0  }
.LBB2_2:
0xc: {  	s18 =	sshll.u32 s17, $0x7  }
0xd: {  	s19 =	sadd.s32 s7, s18  }
0xe: {  	s18 =	sadd.s32 s8, s19  }
0xf: {  	s18 =	sshrl.u32 s18, $0x3  }
0x10: {  	s20 =	sadd.s32 s3, s18  }
0x11: {  	[tilespmem:s2], [sflag:$0x1] =	stream.strided.gather [hbm4b:s20+s11], $0x18700, s12, s11, $0x38;
	[tilespmem:$0x1E700] =	vst v63  }
0x12: {  	s31 =	sor.u32 s9, s19;
	_ =	swait.ge [sflag:s13], $0x18700  }
0x13: {  	s20 =	sshrl.u32 s31, $0x3;
	[sflag:s13] =	ssyncset.done $0x0  }
0x14: {  	s20 =	sadd.s32 s1, s20;
	[sflag:s13] =	ssyncadd.s32 $0xFFFE7900  }
0x15: {  	[tilespmem:s14], [sflag:$0x1] =	stream.strided.gather [hbm4b:s20+s11], $0x4000, s12, s11, $0x38;
	[tilespmem:$0x1E700] =	vst v63  }
0x16: {  	s19 =	sadd.s32 s19, s9;
	_ =	swait.ge [sflag:s13], $0x4000  }
0x17: {  	s19 =	sshrl.u32 s19, $0x3;
	[sflag:s13] =	ssyncset.done $0x0  }
0x18: {  	s19 =	sadd.s32 s5, s19;
	[sflag:s13] =	ssyncadd.s32 $0xFFFFC000  }
0x19: {  	[tilespmem:s15], [sflag:$0x1] =	stream.strided.gather [hbm4b:s19+s11], $0x2000, s12, s11, $0x38;
	[tilespmem:$0x1E700] =	vst v63  }
0x1a: {  	_ =	swait.ge [sflag:s13], $0x2000  }
0x1b: {  	s21 =	simm.s32 $0x18740;
	[sflag:s13] =	ssyncset.done $0x0  }
0x1c: {  	s22 =	simm.s32 $0x1C740;
	s20 =	simm.s32 $0xFFFFFFF8;
	[sflag:s13] =	ssyncadd.s32 $0xFFFFE000  }
.LBB2_3:
0x1d: {  	v0 =	vld [tilespmem:s21+$0xFFFFFFC0];
	_ =	sdelay $0x2  }
0x1e: {  	v1 =	vld [tilespmem:s22+$0xFFFFFFC0];
	_ =	sdelay $0x4  }
0x1f: {  	[tilespmem:v0+s2+$0x0] =	vst.idx.add.f32.msk $0xffff, v1  }
0x20: {  	v0 =	vld [tilespmem:s21+$0xFFFFFFD0];
	_ =	sdelay $0x2  }
0x21: {  	v1 =	vld [tilespmem:s22+$0xFFFFFFD0];
	_ =	sdelay $0x4  }
0x22: {  	[tilespmem:v0+s2+$0x0] =	vst.idx.add.f32.msk $0xffff, v1  }
0x23: {  	v0 =	vld [tilespmem:s21+$0xFFFFFFE0];
	_ =	sdelay $0x2  }
0x24: {  	v1 =	vld [tilespmem:s22+$0xFFFFFFE0];
	_ =	sdelay $0x4  }
0x25: {  	[tilespmem:v0+s2+$0x0] =	vst.idx.add.f32.msk $0xffff, v1  }
0x26: {  	v0 =	vld [tilespmem:s21+$0xFFFFFFF0];
	_ =	sdelay $0x2  }
0x27: {  	v1 =	vld [tilespmem:s22+$0xFFFFFFF0];
	_ =	sdelay $0x4  }
0x28: {  	[tilespmem:v0+s2+$0x0] =	vst.idx.add.f32.msk $0xffff, v1  }
0x29: {  	v0 =	vld [tilespmem:s21+$0x0];
	_ =	sdelay $0x2  }
0x2a: {  	v1 =	vld [tilespmem:s22+$0x0];
	_ =	sdelay $0x4  }
0x2b: {  	[tilespmem:v0+s2+$0x0] =	vst.idx.add.f32.msk $0xffff, v1  }
0x2c: {  	v0 =	vld [tilespmem:s21+$0x10];
	_ =	sdelay $0x2  }
0x2d: {  	v1 =	vld [tilespmem:s22+$0x10];
	_ =	sdelay $0x4  }
0x2e: {  	[tilespmem:v0+s2+$0x0] =	vst.idx.add.f32.msk $0xffff, v1  }
0x2f: {  	v0 =	vld [tilespmem:s21+$0x20];
	_ =	sdelay $0x2  }
0x30: {  	v1 =	vld [tilespmem:s22+$0x20];
	_ =	sdelay $0x4  }
0x31: {  	[tilespmem:v0+s2+$0x0] =	vst.idx.add.f32.msk $0xffff, v1  }
0x32: {  	v0 =	vld [tilespmem:s21+$0x30];
	_ =	sdelay $0x1  }
0x33: {  	s20 =	sadd.s32 $0x8, s20  }
0x34: {  	p0 =	slt.u32 s20, $0x1F8;
	v1 =	vld [tilespmem:s22+$0x30]  }
.Ltmp0:
0x35: {  	_ = 	snop;
	(pc) =	sbr.rel @p0 .LBB2_3-.Ltmp0, $2  }
0x36: {  	_ =	sdelay $0x2  }
0x37: {  	s21 =	sadd.s32 $0x80, s21;
	s22 =	sadd.s32 $0x80, s22;
	[tilespmem:v0+s2+$0x0] =	vst.idx.add.f32.msk $0xffff, v1  }
0x38: {  	s19 =	sadd.s32 $0x2000, s19  }
0x39: {  	[tilespmem:s15], [sflag:$0x1] =	stream.strided.gather [hbm4b:s19+s11], $0x2000, s12, s11, $0x38;
	[tilespmem:$0x1E700] =	vst v63  }
0x3a: {  	_ =	swait.ge [sflag:s13], $0x2000  }
0x3b: {  	s20 =	simm.s32 $0x1A770;
	[sflag:s13] =	ssyncset.done $0x0  }
0x3c: {  	s21 =	simm.s32 $0x1C740;
	s19 =	simm.s32 $0xFFFFFFF8;
	[sflag:s13] =	ssyncadd.s32 $0xFFFFE000  }
.LBB2_5:
0x3d: {  	v0 =	vld [tilespmem:s20+$0xFFFFFF90];
	_ =	sdelay $0x2  }
0x3e: {  	v1 =	vld [tilespmem:s21+$0xFFFFFFC0];
	_ =	sdelay $0x4  }
0x3f: {  	[tilespmem:v0+s2+$0x0] =	vst.idx.add.f32.msk $0xffff, v1  }
0x40: {  	v0 =	vld [tilespmem:s20+$0xFFFFFFA0];
	_ =	sdelay $0x2  }
0x41: {  	v1 =	vld [tilespmem:s21+$0xFFFFFFD0];
	_ =	sdelay $0x4  }
0x42: {  	[tilespmem:v0+s2+$0x0] =	vst.idx.add.f32.msk $0xffff, v1  }
0x43: {  	v0 =	vld [tilespmem:s20+$0xFFFFFFB0];
	_ =	sdelay $0x2  }
0x44: {  	v1 =	vld [tilespmem:s21+$0xFFFFFFE0];
	_ =	sdelay $0x4  }
0x45: {  	[tilespmem:v0+s2+$0x0] =	vst.idx.add.f32.msk $0xffff, v1  }
0x46: {  	v0 =	vld [tilespmem:s20+$0xFFFFFFC0];
	_ =	sdelay $0x2  }
0x47: {  	v1 =	vld [tilespmem:s21+$0xFFFFFFF0];
	_ =	sdelay $0x4  }
0x48: {  	[tilespmem:v0+s2+$0x0] =	vst.idx.add.f32.msk $0xffff, v1  }
0x49: {  	v0 =	vld [tilespmem:s20+$0xFFFFFFD0];
	_ =	sdelay $0x2  }
0x4a: {  	v1 =	vld [tilespmem:s21+$0x0];
	_ =	sdelay $0x4  }
0x4b: {  	[tilespmem:v0+s2+$0x0] =	vst.idx.add.f32.msk $0xffff, v1  }
0x4c: {  	v0 =	vld [tilespmem:s20+$0xFFFFFFE0];
	_ =	sdelay $0x2  }
0x4d: {  	v1 =	vld [tilespmem:s21+$0x10];
	_ =	sdelay $0x4  }
0x4e: {  	[tilespmem:v0+s2+$0x0] =	vst.idx.add.f32.msk $0xffff, v1  }
0x4f: {  	v0 =	vld [tilespmem:s20+$0xFFFFFFF0];
	_ =	sdelay $0x2  }
0x50: {  	v1 =	vld [tilespmem:s21+$0x20];
	_ =	sdelay $0x4  }
0x51: {  	[tilespmem:v0+s2+$0x0] =	vst.idx.add.f32.msk $0xffff, v1  }
0x52: {  	v0 =	vld [tilespmem:s20+$0x0];
	_ =	sdelay $0x1  }
0x53: {  	s19 =	sadd.s32 $0x8, s19  }
0x54: {  	p0 =	slt.u32 s19, $0x1F8;
	v1 =	vld [tilespmem:s21+$0x30]  }
.Ltmp1:
0x55: {  	_ = 	snop;
	(pc) =	sbr.rel @p0 .LBB2_5-.Ltmp1, $2  }
0x56: {  	_ =	sdelay $0x2  }
0x57: {  	s20 =	sadd.s32 $0x80, s20;
	s21 =	sadd.s32 $0x80, s21;
	[tilespmem:v0+s2+$0x0] =	vst.idx.add.f32.msk $0xffff, v1  }
0x58: {  	s17 =	sadd.s32 $0x1, s17  }
0x59: {  	p0 =	sne.s32 s17, $0x4  }
.Ltmp2:
0x5a: {  	s18 =	sadd.s32 s6, s18;
	(pc) =	sbr.rel @p0 .LBB2_2-.Ltmp2, $4  }
0x5b: {  	[hbm4b:s18+s11] =	stream.strided.scatter [tilespmem:s2], [sflag:$0x1], $0x18700, s12, s11, $0x38;
	[tilespmem:$0x1E700] =	vst v63  }
0x5c: {  	_ =	swait.ge [sflag:s13], $0x18700  }
0x5d: {  	[sflag:s13] =	ssyncset.done $0x0  }
0x5e: {  	[sflag:s13] =	ssyncadd.s32 $0xFFFE7900  }
0x5f: {  	s16 =	sadd.s32 $0x1, s16  }
0x60: {  	p0 =	sne.s32 s16, s10  }
.Ltmp3:
0x61: {  	_ = 	snop;
	(pc) =	sbr.rel @p0 .LBB2_1-.Ltmp3, $1  }
0x62: {  	_ =	sdelay $0x3  }
0x63: {  	_ =	sfence.sel $0x180000  }
0x64: {  	[bflag:$0x0] =	sbarrier.arrive $0xFFFF  }
0x65: {  	p0 =	sne.s32 s4, $0x0;
	_ =	strace $0x90000047  }
0x66: {  	s0 =	sadd.s32 @!p0 $0x100000, s0;
	[bflag:$0x2] =	sbarrier.arrive $0xFFFF  }
0x67: {  	[sflag:s0] =	ssyncadd.tile.s32 @!p0 $0x1;
	_ =	shalt  }
.Lfunc_end2:
_tile_overlayer_lowered:
.L_overlay_start_2:
0x68: {  	(tag) =	ssettag $0x2  }
0x69: {  	s0 =	rddreg [dreg:$0x0];
	s2 =	stileid.u32  }
0x6a: {  	s1 =	rddreg [dreg:$0x1];
	p0 =	sne.s32 s2, $0x0  }
0x6b: {  	s3 =	rddreg [dreg:$0x2];
	[bflag:$0x3] =	sbarrier.arrive $0xFFFF;
	s2 =	simm.s32 @!p0 $0x1C01  }
0x6c: {  	[timem:s3], [sflag:s2] =	dma.local @!p0 [hbm:s0], s1  }
0x6d: {  	s0 =	simm.s32 @!p0 $0x1  }
0x6e: {  	_ =	swait.ge @!p0 [sflag:s0], s1  }
0x6f: {  	s1 =	ssub.s32 @!p0 $0x0, s1;
	[sflag:s0] =	ssyncset.done @!p0 $0x0  }
0x70: {  	[sflag:s0] =	ssyncadd.s32 @!p0 s1  }
0x71: {  	[bflag:$0x3] =	sbarrier.arrive $0xFFFF  }
0x72: {  	_ =	shalt  }

</sc_bundles>
